<compile_context>
chip_gen: v7x
topology: tpu7x:2x2x1
jax: 0.10.2.dev20260603
libtpu: 0.0.44.dev20260713+nightly
codegen_flags: <defaults>
</compile_context>

<pallas_src>
import functools

import jax
import jax.numpy as jnp
from jax import lax
from jax.experimental import pallas as pl
from jax.experimental.pallas import tpu as pltpu
from jax.experimental.pallas import tpu_sc as plsc


def _make_gather(D, S, B):
    info = plsc.get_sparse_core_info()
    nw = info.num_cores * info.num_subcores
    CH = B // nw
    assert B % nw == 0 and CH <= 128
    n_ch = S
    mesh = plsc.VectorSubcoreMesh(core_axis_name="c", subcore_axis_name="s")

    NBUF = 5
    assert n_ch % NBUF == 0

    @functools.partial(
        pl.kernel,
        mesh=mesh,
        out_type=jax.ShapeDtypeStruct((S * B, D), jnp.float32),
        scratch_types=[
            pltpu.VMEM((n_ch, CH), jnp.int32),
            *[pltpu.VMEM((CH, D), jnp.float32) for _ in range(NBUF)],
            *[pltpu.SemaphoreType.DMA for _ in range(2 * NBUF)],
        ],
    )
    def k(table_hbm, idx_hbm, out_hbm, idx_v, *bufs_and_sems):
        bufs = bufs_and_sems[:NBUF]
        gsems = bufs_and_sems[NBUF : 2 * NBUF]
        wsems = bufs_and_sems[2 * NBUF :]
        wid = lax.axis_index("s") * info.num_cores + lax.axis_index("c")
        base = wid * CH
        head = 8
        pltpu.sync_copy(idx_hbm.at[pl.ds(0, head), pl.ds(base, CH)], idx_v.at[pl.ds(0, head)])
        tail = pltpu.async_copy(
            idx_hbm.at[pl.ds(head, n_ch - head), pl.ds(base, CH)],
            idx_v.at[pl.ds(head, n_ch - head)],
            wsems[0],
        )

        def gather(c, j):
            pltpu.async_copy(table_hbm.at[idx_v.at[c]], bufs[j], gsems[j])

        def gwait(j):
            pltpu.make_async_copy(table_hbm.at[idx_v.at[0]], bufs[j], gsems[j]).wait()

        def store(c, j):
            pltpu.async_copy(bufs[j], out_hbm.at[pl.ds(c * B + base, CH)], wsems[j])

        def swait(j):
            pltpu.make_async_copy(
                bufs[j], out_hbm.at[pl.ds(base, CH)], wsems[j]
            ).wait()

        for j in range(NBUF):
            gather(j, j)
        tail.wait()

        def body(i, carry):
            g = NBUF * i
            for j in range(NBUF):
                gwait(j)
                store(g + j, j)
            for j in range(NBUF):
                swait(j)

                @pl.when(g + NBUF + j < n_ch)
                def _(j=j):
                    gather(g + NBUF + j, j)

            return carry

        lax.fori_loop(0, n_ch // NBUF, body, 0)

    return k


def kernel(inputs, embeddings):
    d, v = embeddings.shape
    b, s = inputs.shape
    n = b * s
    table = jnp.transpose(embeddings)

    gather = _make_gather(d, s, b)
    idx = jnp.transpose(inputs).astype(jnp.int32)
    out = gather(table, idx)
    return out.reshape(s, b, d).transpose(1, 0, 2)

# --- scband reference (transcript-rebuilt; emitter-appended) ---
"""Pipeline reference for scband-transposed-embedding-54374285967635 (READ-ONLY COPY).

The authoritative reference and input builder live on the scoring server;
editing this copy changes nothing except your own understanding.
"""

import jax, jax.numpy as jnp
import numpy as np


def setup_inputs(seed: int = 0) -> dict:
    key = jax.random.key(seed)
    k_idx, k_emb = jax.random.split(key, 2)
    inputs = jax.random.randint(k_idx, (4096, 50), 0, 100000, dtype=jnp.int64)
    embeddings = jax.random.normal(k_emb, (128, 100000), dtype=jnp.float32)
    return {"inputs": inputs, "embeddings": embeddings}


def reference(inputs, embeddings):
    # TransposedEmbedding: weight stored as [output_dim, input_dim]; lookup on transposed table
    table = jnp.transpose(embeddings)  # [input_dim(vocab), output_dim]
    outputs = jnp.take(table, inputs, axis=0)  # [4096, 50, 128]
    return outputs

if __name__ == "__main__":
    import jax
    _d = setup_inputs()
    print(jax.jit(kernel)(*tuple(_d.values())))

</pallas_src>

<mosaic_0001>
#map = affine_map<(d0, d1) -> (0, 0)>
module attributes {stable_mosaic.version = 14 : i64} {
  func.func @k(%arg0: i32, %arg1: i32, %arg2: memref<100000x128xf32, #tpu.memory_space<hbm>>, %arg3: memref<50x4096xi32, #tpu.memory_space<hbm>>, %arg4: memref<204800x128xf32, #tpu.memory_space<hbm>>, %arg5: memref<50x128xi32, #tpu.memory_space<vmem>>, %arg6: memref<128x128xf32, #tpu.memory_space<vmem>>, %arg7: memref<128x128xf32, #tpu.memory_space<vmem>>, %arg8: memref<128x128xf32, #tpu.memory_space<vmem>>, %arg9: memref<128x128xf32, #tpu.memory_space<vmem>>, %arg10: memref<128x128xf32, #tpu.memory_space<vmem>>, %arg11: memref<!tpu.dma_semaphore, #tpu.memory_space<semaphore_mem>>, %arg12: memref<!tpu.dma_semaphore, #tpu.memory_space<semaphore_mem>>, %arg13: memref<!tpu.dma_semaphore, #tpu.memory_space<semaphore_mem>>, %arg14: memref<!tpu.dma_semaphore, #tpu.memory_space<semaphore_mem>>, %arg15: memref<!tpu.dma_semaphore, #tpu.memory_space<semaphore_mem>>, %arg16: memref<!tpu.dma_semaphore, #tpu.memory_space<semaphore_mem>>, %arg17: memref<!tpu.dma_semaphore, #tpu.memory_space<semaphore_mem>>, %arg18: memref<!tpu.dma_semaphore, #tpu.memory_space<semaphore_mem>>, %arg19: memref<!tpu.dma_semaphore, #tpu.memory_space<semaphore_mem>>, %arg20: memref<!tpu.dma_semaphore, #tpu.memory_space<semaphore_mem>>) attributes {dimension_semantics = [#tpu.dimension_semantics<core_parallel>, #tpu.dimension_semantics<subcore_parallel>], iteration_bounds = array<i64: 2, 16>, scalar_prefetch = 0 : i64, scratch_operands = 16 : i64, tpu.core_type = #tpu.core_type<sc_vector_subcore>, window_params = [{transform_indices = #map}, {transform_indices = #map}, {transform_indices = #map}]} {
    %mul3A = arith.constant 2 : i32
    %mul3A_0 = arith.muli %arg1, %mul3A : i32
    %add3A = arith.addi %mul3A_0, %arg0 : i32
    %mul3A_1 = arith.constant 128 : i32
    %mul3A_2 = arith.muli %add3A, %mul3A_1 : i32
    "tpu.region"() ({
      %run_scoped3A = tpu.sem_alloc : memref<!tpu.dma_semaphore, #tpu.memory_space<semaphore_mem>>
      %dma_start3A_61 = arith.constant 0 : i32
      %dma_start3A_62 = arith.constant 0 : i32
      %dma_start3A_63 = tpu.memref_slice %arg5[%dma_start3A_61, %dma_start3A_62] : memref<50x128xi32, #tpu.memory_space<vmem>> -> memref<8x128xi32, #tpu.memory_space<vmem>>
      %dma_start3A_64 = arith.constant 0 : i32
      %dma_start3A_65 = tpu.memref_slice %arg3[%dma_start3A_64, %mul3A_2] : memref<50x4096xi32, #tpu.memory_space<hbm>> -> memref<8x128xi32, #tpu.memory_space<hbm>>
      %dma_start3A_66 = arith.constant 0 : i32
      %dma_start3A_67 = arith.constant 0 : i32
      %dma_start3A_68 = tpu.memref_slice %arg5[%dma_start3A_66, %dma_start3A_67] : memref<50x128xi32, #tpu.memory_space<vmem>> -> memref<8x128xi32, #tpu.memory_space<vmem>>
      %dma_start3A_69 = arith.constant 0 : i32
      %dma_start3A_70 = tpu.memref_slice %arg3[%dma_start3A_69, %mul3A_2] : memref<50x4096xi32, #tpu.memory_space<hbm>> -> memref<8x128xi32, #tpu.memory_space<hbm>>
      tpu.enqueue_dma source(%dma_start3A_70 : memref<8x128xi32, #tpu.memory_space<hbm>>) target(%dma_start3A_68 : memref<8x128xi32, #tpu.memory_space<vmem>>) target_semaphore(%run_scoped3A : memref<!tpu.dma_semaphore, #tpu.memory_space<semaphore_mem>>)
      %dma_wait3A_71 = arith.constant 0 : i32
      %dma_wait3A_72 = arith.constant 0 : i32
      %dma_wait3A_73 = tpu.memref_slice %arg5[%dma_wait3A_71, %dma_wait3A_72] : memref<50x128xi32, #tpu.memory_space<vmem>> -> memref<8x128xi32, #tpu.memory_space<vmem>>
      %dma_wait3A_74 = arith.constant 0 : i32
      %dma_wait3A_75 = tpu.memref_slice %arg3[%dma_wait3A_74, %mul3A_2] : memref<50x4096xi32, #tpu.memory_space<hbm>> -> memref<8x128xi32, #tpu.memory_space<hbm>>
      %dma_wait3A_76 = arith.constant 0 : i32
      %dma_wait3A_77 = arith.constant 0 : i32
      %dma_wait3A_78 = tpu.memref_slice %arg5[%dma_wait3A_76, %dma_wait3A_77] : memref<50x128xi32, #tpu.memory_space<vmem>> -> memref<8x128xi32, #tpu.memory_space<vmem>>
      %dma_wait3A_79 = arith.constant 0 : i32
      %dma_wait3A_80 = tpu.memref_slice %arg3[%dma_wait3A_79, %mul3A_2] : memref<50x4096xi32, #tpu.memory_space<hbm>> -> memref<8x128xi32, #tpu.memory_space<hbm>>
      tpu.wait_dma2 semaphore(%run_scoped3A : memref<!tpu.dma_semaphore, #tpu.memory_space<semaphore_mem>>) src(%dma_wait3A_80 : memref<8x128xi32, #tpu.memory_space<hbm>>) dst(%dma_wait3A_78 : memref<8x128xi32, #tpu.memory_space<vmem>>)
      tpu.yield
    }) : () -> ()
    %dma_start3A = arith.constant 8 : i32
    %dma_start3A_3 = arith.constant 0 : i32
    %dma_start3A_4 = tpu.memref_slice %arg5[%dma_start3A, %dma_start3A_3] : memref<50x128xi32, #tpu.memory_space<vmem>> -> memref<42x128xi32, #tpu.memory_space<vmem>>
    %dma_start3A_5 = arith.constant 8 : i32
    %dma_start3A_6 = tpu.memref_slice %arg3[%dma_start3A_5, %mul3A_2] : memref<50x4096xi32, #tpu.memory_space<hbm>> -> memref<42x128xi32, #tpu.memory_space<hbm>>
    %dma_start3A_7 = arith.constant 8 : i32
    %dma_start3A_8 = arith.constant 0 : i32
    %dma_start3A_9 = tpu.memref_slice %arg5[%dma_start3A_7, %dma_start3A_8] : memref<50x128xi32, #tpu.memory_space<vmem>> -> memref<42x128xi32, #tpu.memory_space<vmem>>
    %dma_start3A_10 = arith.constant 8 : i32
    %dma_start3A_11 = tpu.memref_slice %arg3[%dma_start3A_10, %mul3A_2] : memref<50x4096xi32, #tpu.memory_space<hbm>> -> memref<42x128xi32, #tpu.memory_space<hbm>>
    tpu.enqueue_dma source(%dma_start3A_11 : memref<42x128xi32, #tpu.memory_space<hbm>>) target(%dma_start3A_9 : memref<42x128xi32, #tpu.memory_space<vmem>>) target_semaphore(%arg16 : memref<!tpu.dma_semaphore, #tpu.memory_space<semaphore_mem>>)
    %dma_start3A_12 = arith.constant 0 : i32
    %dma_start3A_13 = arith.constant 0 : i32
    %dma_start3A_14 = tpu.memref_slice %arg5[%dma_start3A_12, %dma_start3A_13] : memref<50x128xi32, #tpu.memory_space<vmem>> -> memref<1x128xi32, #tpu.memory_space<vmem>>
    %dma_start3A_15 = tpu.memref_squeeze %dma_start3A_14 : memref<1x128xi32, #tpu.memory_space<vmem>> -> memref<128xi32, #tpu.memory_space<vmem>>
    %dma_start3A_16 = arith.constant 0 : i32
    %dma_start3A_17 = arith.constant 0 : i32
    %dma_start3A_18 = tpu.memref_slice %arg2[%dma_start3A_16, %dma_start3A_17] : memref<100000x128xf32, #tpu.memory_space<hbm>> -> memref<100000x128xf32, #tpu.memory_space<hbm>>
    tpu.enqueue_indirect_dma source(%dma_start3A_18 : memref<100000x128xf32, #tpu.memory_space<hbm>>) target(%arg6 : memref<128x128xf32, #tpu.memory_space<vmem>>) offsets(%dma_start3A_15 : memref<128xi32, #tpu.memory_space<vmem>>) semaphore(%arg11 : memref<!tpu.dma_semaphore, #tpu.memory_space<semaphore_mem>>)
    %dma_start3A_19 = arith.constant 1 : i32
    %dma_start3A_20 = arith.constant 0 : i32
    %dma_start3A_21 = tpu.memref_slice %arg5[%dma_start3A_19, %dma_start3A_20] : memref<50x128xi32, #tpu.memory_space<vmem>> -> memref<1x128xi32, #tpu.memory_space<vmem>>
    %dma_start3A_22 = tpu.memref_squeeze %dma_start3A_21 : memref<1x128xi32, #tpu.memory_space<vmem>> -> memref<128xi32, #tpu.memory_space<vmem>>
    %dma_start3A_23 = arith.constant 0 : i32
    %dma_start3A_24 = arith.constant 0 : i32
    %dma_start3A_25 = tpu.memref_slice %arg2[%dma_start3A_23, %dma_start3A_24] : memref<100000x128xf32, #tpu.memory_space<hbm>> -> memref<100000x128xf32, #tpu.memory_space<hbm>>
    tpu.enqueue_indirect_dma source(%dma_start3A_25 : memref<100000x128xf32, #tpu.memory_space<hbm>>) target(%arg7 : memref<128x128xf32, #tpu.memory_space<vmem>>) offsets(%dma_start3A_22 : memref<128xi32, #tpu.memory_space<vmem>>) semaphore(%arg12 : memref<!tpu.dma_semaphore, #tpu.memory_space<semaphore_mem>>)
    %dma_start3A_26 = arith.constant 2 : i32
    %dma_start3A_27 = arith.constant 0 : i32
    %dma_start3A_28 = tpu.memref_slice %arg5[%dma_start3A_26, %dma_start3A_27] : memref<50x128xi32, #tpu.memory_space<vmem>> -> memref<1x128xi32, #tpu.memory_space<vmem>>
    %dma_start3A_29 = tpu.memref_squeeze %dma_start3A_28 : memref<1x128xi32, #tpu.memory_space<vmem>> -> memref<128xi32, #tpu.memory_space<vmem>>
    %dma_start3A_30 = arith.constant 0 : i32
    %dma_start3A_31 = arith.constant 0 : i32
    %dma_start3A_32 = tpu.memref_slice %arg2[%dma_start3A_30, %dma_start3A_31] : memref<100000x128xf32, #tpu.memory_space<hbm>> -> memref<100000x128xf32, #tpu.memory_space<hbm>>
    tpu.enqueue_indirect_dma source(%dma_start3A_32 : memref<100000x128xf32, #tpu.memory_space<hbm>>) target(%arg8 : memref<128x128xf32, #tpu.memory_space<vmem>>) offsets(%dma_start3A_29 : memref<128xi32, #tpu.memory_space<vmem>>) semaphore(%arg13 : memref<!tpu.dma_semaphore, #tpu.memory_space<semaphore_mem>>)
    %dma_start3A_33 = arith.constant 3 : i32
    %dma_start3A_34 = arith.constant 0 : i32
    %dma_start3A_35 = tpu.memref_slice %arg5[%dma_start3A_33, %dma_start3A_34] : memref<50x128xi32, #tpu.memory_space<vmem>> -> memref<1x128xi32, #tpu.memory_space<vmem>>
    %dma_start3A_36 = tpu.memref_squeeze %dma_start3A_35 : memref<1x128xi32, #tpu.memory_space<vmem>> -> memref<128xi32, #tpu.memory_space<vmem>>
    %dma_start3A_37 = arith.constant 0 : i32
    %dma_start3A_38 = arith.constant 0 : i32
    %dma_start3A_39 = tpu.memref_slice %arg2[%dma_start3A_37, %dma_start3A_38] : memref<100000x128xf32, #tpu.memory_space<hbm>> -> memref<100000x128xf32, #tpu.memory_space<hbm>>
    tpu.enqueue_indirect_dma source(%dma_start3A_39 : memref<100000x128xf32, #tpu.memory_space<hbm>>) target(%arg9 : memref<128x128xf32, #tpu.memory_space<vmem>>) offsets(%dma_start3A_36 : memref<128xi32, #tpu.memory_space<vmem>>) semaphore(%arg14 : memref<!tpu.dma_semaphore, #tpu.memory_space<semaphore_mem>>)
    %dma_start3A_40 = arith.constant 4 : i32
    %dma_start3A_41 = arith.constant 0 : i32
    %dma_start3A_42 = tpu.memref_slice %arg5[%dma_start3A_40, %dma_start3A_41] : memref<50x128xi32, #tpu.memory_space<vmem>> -> memref<1x128xi32, #tpu.memory_space<vmem>>
    %dma_start3A_43 = tpu.memref_squeeze %dma_start3A_42 : memref<1x128xi32, #tpu.memory_space<vmem>> -> memref<128xi32, #tpu.memory_space<vmem>>
    %dma_start3A_44 = arith.constant 0 : i32
    %dma_start3A_45 = arith.constant 0 : i32
    %dma_start3A_46 = tpu.memref_slice %arg2[%dma_start3A_44, %dma_start3A_45] : memref<100000x128xf32, #tpu.memory_space<hbm>> -> memref<100000x128xf32, #tpu.memory_space<hbm>>
    tpu.enqueue_indirect_dma source(%dma_start3A_46 : memref<100000x128xf32, #tpu.memory_space<hbm>>) target(%arg10 : memref<128x128xf32, #tpu.memory_space<vmem>>) offsets(%dma_start3A_43 : memref<128xi32, #tpu.memory_space<vmem>>) semaphore(%arg15 : memref<!tpu.dma_semaphore, #tpu.memory_space<semaphore_mem>>)
    %dma_wait3A = arith.constant 8 : i32
    %dma_wait3A_47 = arith.constant 0 : i32
    %dma_wait3A_48 = tpu.memref_slice %arg5[%dma_wait3A, %dma_wait3A_47] : memref<50x128xi32, #tpu.memory_space<vmem>> -> memref<42x128xi32, #tpu.memory_space<vmem>>
    %dma_wait3A_49 = arith.constant 8 : i32
    %dma_wait3A_50 = tpu.memref_slice %arg3[%dma_wait3A_49, %mul3A_2] : memref<50x4096xi32, #tpu.memory_space<hbm>> -> memref<42x128xi32, #tpu.memory_space<hbm>>
    %dma_wait3A_51 = arith.constant 8 : i32
    %dma_wait3A_52 = arith.constant 0 : i32
    %dma_wait3A_53 = tpu.memref_slice %arg5[%dma_wait3A_51, %dma_wait3A_52] : memref<50x128xi32, #tpu.memory_space<vmem>> -> memref<42x128xi32, #tpu.memory_space<vmem>>
    %dma_wait3A_54 = arith.constant 8 : i32
    %dma_wait3A_55 = tpu.memref_slice %arg3[%dma_wait3A_54, %mul3A_2] : memref<50x4096xi32, #tpu.memory_space<hbm>> -> memref<42x128xi32, #tpu.memory_space<hbm>>
    tpu.wait_dma2 semaphore(%arg16 : memref<!tpu.dma_semaphore, #tpu.memory_space<semaphore_mem>>) src(%dma_wait3A_55 : memref<42x128xi32, #tpu.memory_space<hbm>>) dst(%dma_wait3A_53 : memref<42x128xi32, #tpu.memory_space<vmem>>)
    %scan3A = arith.constant 0 : i32
    %scan3A_56 = arith.constant 0 : i32
    %scan3A_57 = arith.constant 10 : i32
    %scan3A_58 = arith.addi %scan3A_56, %scan3A_57 : i32
    %scan3A_59 = arith.constant 1 : i32
    scf.for %scan3A_61 = %scan3A_56 to %scan3A_58 step %scan3A_59  : i32 {
      %mul3A_62 = arith.constant 5 : i32
      %mul3A_63 = arith.muli %mul3A_62, %scan3A_61 : i32
      %dma_wait3A_64 = arith.constant 0 : i32
      %dma_wait3A_65 = arith.constant 0 : i32
      %dma_wait3A_66 = tpu.memref_slice %arg5[%dma_wait3A_64, %dma_wait3A_65] : memref<50x128xi32, #tpu.memory_space<vmem>> -> memref<1x128xi32, #tpu.memory_space<vmem>>
      %dma_wait3A_67 = tpu.memref_squeeze %dma_wait3A_66 : memref<1x128xi32, #tpu.memory_space<vmem>> -> memref<128xi32, #tpu.memory_space<vmem>>
      %dma_wait3A_68 = arith.constant 0 : i32
      %dma_wait3A_69 = arith.constant 0 : i32
      %dma_wait3A_70 = tpu.memref_slice %arg2[%dma_wait3A_68, %dma_wait3A_69] : memref<100000x128xf32, #tpu.memory_space<hbm>> -> memref<100000x128xf32, #tpu.memory_space<hbm>>
      tpu.wait_indirect_dma semaphore(%arg11 : memref<!tpu.dma_semaphore, #tpu.memory_space<semaphore_mem>>) src(%dma_wait3A_70 : memref<100000x128xf32, #tpu.memory_space<hbm>>) dst(%arg6 : memref<128x128xf32, #tpu.memory_space<vmem>>)
      %add3A_71 = arith.constant 0 : i32
      %add3A_72 = arith.addi %mul3A_63, %add3A_71 : i32
      %mul3A_73 = arith.constant 4096 : i32
      %mul3A_74 = arith.muli %add3A_72, %mul3A_73 : i32
      %add3A_75 = arith.addi %mul3A_74, %mul3A_2 : i32
      %dma_start3A_76 = arith.constant 0 : i32
      %dma_start3A_77 = tpu.memref_slice %arg4[%add3A_75, %dma_start3A_76] : memref<204800x128xf32, #tpu.memory_space<hbm>> -> memref<128x128xf32, #tpu.memory_space<hbm>>
      %dma_start3A_78 = arith.constant 0 : i32
      %dma_start3A_79 = tpu.memref_slice %arg4[%add3A_75, %dma_start3A_78] : memref<204800x128xf32, #tpu.memory_space<hbm>> -> memref<128x128xf32, #tpu.memory_space<hbm>>
      tpu.enqueue_dma source(%arg6 : memref<128x128xf32, #tpu.memory_space<vmem>>) target(%dma_start3A_79 : memref<128x128xf32, #tpu.memory_space<hbm>>) target_semaphore(%arg16 : memref<!tpu.dma_semaphore, #tpu.memory_space<semaphore_mem>>)
      %dma_wait3A_80 = arith.constant 0 : i32
      %dma_wait3A_81 = arith.constant 0 : i32
      %dma_wait3A_82 = tpu.memref_slice %arg5[%dma_wait3A_80, %dma_wait3A_81] : memref<50x128xi32, #tpu.memory_space<vmem>> -> memref<1x128xi32, #tpu.memory_space<vmem>>
      %dma_wait3A_83 = tpu.memref_squeeze %dma_wait3A_82 : memref<1x128xi32, #tpu.memory_space<vmem>> -> memref<128xi32, #tpu.memory_space<vmem>>
      %dma_wait3A_84 = arith.constant 0 : i32
      %dma_wait3A_85 = arith.constant 0 : i32
      %dma_wait3A_86 = tpu.memref_slice %arg2[%dma_wait3A_84, %dma_wait3A_85] : memref<100000x128xf32, #tpu.memory_space<hbm>> -> memref<100000x128xf32, #tpu.memory_space<hbm>>
      tpu.wait_indirect_dma semaphore(%arg12 : memref<!tpu.dma_semaphore, #tpu.memory_space<semaphore_mem>>) src(%dma_wait3A_86 : memref<100000x128xf32, #tpu.memory_space<hbm>>) dst(%arg7 : memref<128x128xf32, #tpu.memory_space<vmem>>)
      %add3A_87 = arith.constant 1 : i32
      %add3A_88 = arith.addi %mul3A_63, %add3A_87 : i32
      %mul3A_89 = arith.constant 4096 : i32
      %mul3A_90 = arith.muli %add3A_88, %mul3A_89 : i32
      %add3A_91 = arith.addi %mul3A_90, %mul3A_2 : i32
      %dma_start3A_92 = arith.constant 0 : i32
      %dma_start3A_93 = tpu.memref_slice %arg4[%add3A_91, %dma_start3A_92] : memref<204800x128xf32, #tpu.memory_space<hbm>> -> memref<128x128xf32, #tpu.memory_space<hbm>>
      %dma_start3A_94 = arith.constant 0 : i32
      %dma_start3A_95 = tpu.memref_slice %arg4[%add3A_91, %dma_start3A_94] : memref<204800x128xf32, #tpu.memory_space<hbm>> -> memref<128x128xf32, #tpu.memory_space<hbm>>
      tpu.enqueue_dma source(%arg7 : memref<128x128xf32, #tpu.memory_space<vmem>>) target(%dma_start3A_95 : memref<128x128xf32, #tpu.memory_space<hbm>>) target_semaphore(%arg17 : memref<!tpu.dma_semaphore, #tpu.memory_space<semaphore_mem>>)
      %dma_wait3A_96 = arith.constant 0 : i32
      %dma_wait3A_97 = arith.constant 0 : i32
      %dma_wait3A_98 = tpu.memref_slice %arg5[%dma_wait3A_96, %dma_wait3A_97] : memref<50x128xi32, #tpu.memory_space<vmem>> -> memref<1x128xi32, #tpu.memory_space<vmem>>
      %dma_wait3A_99 = tpu.memref_squeeze %dma_wait3A_98 : memref<1x128xi32, #tpu.memory_space<vmem>> -> memref<128xi32, #tpu.memory_space<vmem>>
      %dma_wait3A_100 = arith.constant 0 : i32
      %dma_wait3A_101 = arith.constant 0 : i32
      %dma_wait3A_102 = tpu.memref_slice %arg2[%dma_wait3A_100, %dma_wait3A_101] : memref<100000x128xf32, #tpu.memory_space<hbm>> -> memref<100000x128xf32, #tpu.memory_space<hbm>>
      tpu.wait_indirect_dma semaphore(%arg13 : memref<!tpu.dma_semaphore, #tpu.memory_space<semaphore_mem>>) src(%dma_wait3A_102 : memref<100000x128xf32, #tpu.memory_space<hbm>>) dst(%arg8 : memref<128x128xf32, #tpu.memory_space<vmem>>)
      %add3A_103 = arith.constant 2 : i32
      %add3A_104 = arith.addi %mul3A_63, %add3A_103 : i32
      %mul3A_105 = arith.constant 4096 : i32
      %mul3A_106 = arith.muli %add3A_104, %mul3A_105 : i32
      %add3A_107 = arith.addi %mul3A_106, %mul3A_2 : i32
      %dma_start3A_108 = arith.constant 0 : i32
      %dma_start3A_109 = tpu.memref_slice %arg4[%add3A_107, %dma_start3A_108] : memref<204800x128xf32, #tpu.memory_space<hbm>> -> memref<128x128xf32, #tpu.memory_space<hbm>>
      %dma_start3A_110 = arith.constant 0 : i32
      %dma_start3A_111 = tpu.memref_slice %arg4[%add3A_107, %dma_start3A_110] : memref<204800x128xf32, #tpu.memory_space<hbm>> -> memref<128x128xf32, #tpu.memory_space<hbm>>
      tpu.enqueue_dma source(%arg8 : memref<128x128xf32, #tpu.memory_space<vmem>>) target(%dma_start3A_111 : memref<128x128xf32, #tpu.memory_space<hbm>>) target_semaphore(%arg18 : memref<!tpu.dma_semaphore, #tpu.memory_space<semaphore_mem>>)
      %dma_wait3A_112 = arith.constant 0 : i32
      %dma_wait3A_113 = arith.constant 0 : i32
      %dma_wait3A_114 = tpu.memref_slice %arg5[%dma_wait3A_112, %dma_wait3A_113] : memref<50x128xi32, #tpu.memory_space<vmem>> -> memref<1x128xi32, #tpu.memory_space<vmem>>
      %dma_wait3A_115 = tpu.memref_squeeze %dma_wait3A_114 : memref<1x128xi32, #tpu.memory_space<vmem>> -> memref<128xi32, #tpu.memory_space<vmem>>
      %dma_wait3A_116 = arith.constant 0 : i32
      %dma_wait3A_117 = arith.constant 0 : i32
      %dma_wait3A_118 = tpu.memref_slice %arg2[%dma_wait3A_116, %dma_wait3A_117] : memref<100000x128xf32, #tpu.memory_space<hbm>> -> memref<100000x128xf32, #tpu.memory_space<hbm>>
      tpu.wait_indirect_dma semaphore(%arg14 : memref<!tpu.dma_semaphore, #tpu.memory_space<semaphore_mem>>) src(%dma_wait3A_118 : memref<100000x128xf32, #tpu.memory_space<hbm>>) dst(%arg9 : memref<128x128xf32, #tpu.memory_space<vmem>>)
      %add3A_119 = arith.constant 3 : i32
      %add3A_120 = arith.addi %mul3A_63, %add3A_119 : i32
      %mul3A_121 = arith.constant 4096 : i32
      %mul3A_122 = arith.muli %add3A_120, %mul3A_121 : i32
      %add3A_123 = arith.addi %mul3A_122, %mul3A_2 : i32
      %dma_start3A_124 = arith.constant 0 : i32
      %dma_start3A_125 = tpu.memref_slice %arg4[%add3A_123, %dma_start3A_124] : memref<204800x128xf32, #tpu.memory_space<hbm>> -> memref<128x128xf32, #tpu.memory_space<hbm>>
      %dma_start3A_126 = arith.constant 0 : i32
      %dma_start3A_127 = tpu.memref_slice %arg4[%add3A_123, %dma_start3A_126] : memref<204800x128xf32, #tpu.memory_space<hbm>> -> memref<128x128xf32, #tpu.memory_space<hbm>>
      tpu.enqueue_dma source(%arg9 : memref<128x128xf32, #tpu.memory_space<vmem>>) target(%dma_start3A_127 : memref<128x128xf32, #tpu.memory_space<hbm>>) target_semaphore(%arg19 : memref<!tpu.dma_semaphore, #tpu.memory_space<semaphore_mem>>)
      %dma_wait3A_128 = arith.constant 0 : i32
      %dma_wait3A_129 = arith.constant 0 : i32
      %dma_wait3A_130 = tpu.memref_slice %arg5[%dma_wait3A_128, %dma_wait3A_129] : memref<50x128xi32, #tpu.memory_space<vmem>> -> memref<1x128xi32, #tpu.memory_space<vmem>>
      %dma_wait3A_131 = tpu.memref_squeeze %dma_wait3A_130 : memref<1x128xi32, #tpu.memory_space<vmem>> -> memref<128xi32, #tpu.memory_space<vmem>>
      %dma_wait3A_132 = arith.constant 0 : i32
      %dma_wait3A_133 = arith.constant 0 : i32
      %dma_wait3A_134 = tpu.memref_slice %arg2[%dma_wait3A_132, %dma_wait3A_133] : memref<100000x128xf32, #tpu.memory_space<hbm>> -> memref<100000x128xf32, #tpu.memory_space<hbm>>
      tpu.wait_indirect_dma semaphore(%arg15 : memref<!tpu.dma_semaphore, #tpu.memory_space<semaphore_mem>>) src(%dma_wait3A_134 : memref<100000x128xf32, #tpu.memory_space<hbm>>) dst(%arg10 : memref<128x128xf32, #tpu.memory_space<vmem>>)
      %add3A_135 = arith.constant 4 : i32
      %add3A_136 = arith.addi %mul3A_63, %add3A_135 : i32
      %mul3A_137 = arith.constant 4096 : i32
      %mul3A_138 = arith.muli %add3A_136, %mul3A_137 : i32
      %add3A_139 = arith.addi %mul3A_138, %mul3A_2 : i32
      %dma_start3A_140 = arith.constant 0 : i32
      %dma_start3A_141 = tpu.memref_slice %arg4[%add3A_139, %dma_start3A_140] : memref<204800x128xf32, #tpu.memory_space<hbm>> -> memref<128x128xf32, #tpu.memory_space<hbm>>
      %dma_start3A_142 = arith.constant 0 : i32
      %dma_start3A_143 = tpu.memref_slice %arg4[%add3A_139, %dma_start3A_142] : memref<204800x128xf32, #tpu.memory_space<hbm>> -> memref<128x128xf32, #tpu.memory_space<hbm>>
      tpu.enqueue_dma source(%arg10 : memref<128x128xf32, #tpu.memory_space<vmem>>) target(%dma_start3A_143 : memref<128x128xf32, #tpu.memory_space<hbm>>) target_semaphore(%arg20 : memref<!tpu.dma_semaphore, #tpu.memory_space<semaphore_mem>>)
      %dma_wait3A_144 = arith.constant 0 : i32
      %dma_wait3A_145 = tpu.memref_slice %arg4[%mul3A_2, %dma_wait3A_144] : memref<204800x128xf32, #tpu.memory_space<hbm>> -> memref<128x128xf32, #tpu.memory_space<hbm>>
      %dma_wait3A_146 = arith.constant 0 : i32
      %dma_wait3A_147 = tpu.memref_slice %arg4[%mul3A_2, %dma_wait3A_146] : memref<204800x128xf32, #tpu.memory_space<hbm>> -> memref<128x128xf32, #tpu.memory_space<hbm>>
      tpu.wait_dma2 semaphore(%arg16 : memref<!tpu.dma_semaphore, #tpu.memory_space<semaphore_mem>>) src(%arg6 : memref<128x128xf32, #tpu.memory_space<vmem>>) dst(%dma_wait3A_147 : memref<128x128xf32, #tpu.memory_space<hbm>>)
      %add3A_148 = arith.constant 5 : i32
      %add3A_149 = arith.addi %mul3A_63, %add3A_148 : i32
      %add3A_150 = arith.constant 0 : i32
      %add3A_151 = arith.addi %add3A_149, %add3A_150 : i32
      %lt3A = arith.constant 50 : i32
      %lt3A_152 = arith.cmpi slt, %add3A_151, %lt3A : i32
      %convert_element_type3A = arith.extui %lt3A_152 : i1 to i32
      %cond3A = arith.constant 0 : i32
      %cond3A_153 = arith.cmpi ne, %convert_element_type3A, %cond3A : i32
      scf.if %cond3A_153 {
        %add3A_206 = arith.constant 5 : i32
        %add3A_207 = arith.addi %mul3A_63, %add3A_206 : i32
        %add3A_208 = arith.constant 0 : i32
        %add3A_209 = arith.addi %add3A_207, %add3A_208 : i32
        %dma_start3A_210 = arith.constant 0 : i32
        %dma_start3A_211 = tpu.memref_slice %arg5[%add3A_209, %dma_start3A_210] : memref<50x128xi32, #tpu.memory_space<vmem>> -> memref<1x128xi32, #tpu.memory_space<vmem>>
        %dma_start3A_212 = tpu.memref_squeeze %dma_start3A_211 : memref<1x128xi32, #tpu.memory_space<vmem>> -> memref<128xi32, #tpu.memory_space<vmem>>
        %dma_start3A_213 = arith.constant 0 : i32
        %dma_start3A_214 = arith.constant 0 : i32
        %dma_start3A_215 = tpu.memref_slice %arg2[%dma_start3A_213, %dma_start3A_214] : memref<100000x128xf32, #tpu.memory_space<hbm>> -> memref<100000x128xf32, #tpu.memory_space<hbm>>
        tpu.enqueue_indirect_dma source(%dma_start3A_215 : memref<100000x128xf32, #tpu.memory_space<hbm>>) target(%arg6 : memref<128x128xf32, #tpu.memory_space<vmem>>) offsets(%dma_start3A_212 : memref<128xi32, #tpu.memory_space<vmem>>) semaphore(%arg11 : memref<!tpu.dma_semaphore, #tpu.memory_space<semaphore_mem>>)
      } else {
      }
      %dma_wait3A_154 = arith.constant 0 : i32
      %dma_wait3A_155 = tpu.memref_slice %arg4[%mul3A_2, %dma_wait3A_154] : memref<204800x128xf32, #tpu.memory_space<hbm>> -> memref<128x128xf32, #tpu.memory_space<hbm>>
      %dma_wait3A_156 = arith.constant 0 : i32
      %dma_wait3A_157 = tpu.memref_slice %arg4[%mul3A_2, %dma_wait3A_156] : memref<204800x128xf32, #tpu.memory_space<hbm>> -> memref<128x128xf32, #tpu.memory_space<hbm>>
      tpu.wait_dma2 semaphore(%arg17 : memref<!tpu.dma_semaphore, #tpu.memory_space<semaphore_mem>>) src(%arg7 : memref<128x128xf32, #tpu.memory_space<vmem>>) dst(%dma_wait3A_157 : memref<128x128xf32, #tpu.memory_space<hbm>>)
      %add3A_158 = arith.constant 5 : i32
      %add3A_159 = arith.addi %mul3A_63, %add3A_158 : i32
      %add3A_160 = arith.constant 1 : i32
      %add3A_161 = arith.addi %add3A_159, %add3A_160 : i32
      %lt3A_162 = arith.constant 50 : i32
      %lt3A_163 = arith.cmpi slt, %add3A_161, %lt3A_162 : i32
      %convert_element_type3A_164 = arith.extui %lt3A_163 : i1 to i32
      %cond3A_165 = arith.constant 0 : i32
      %cond3A_166 = arith.cmpi ne, %convert_element_type3A_164, %cond3A_165 : i32
      scf.if %cond3A_166 {
        %add3A_206 = arith.constant 5 : i32
        %add3A_207 = arith.addi %mul3A_63, %add3A_206 : i32
        %add3A_208 = arith.constant 1 : i32
        %add3A_209 = arith.addi %add3A_207, %add3A_208 : i32
        %dma_start3A_210 = arith.constant 0 : i32
        %dma_start3A_211 = tpu.memref_slice %arg5[%add3A_209, %dma_start3A_210] : memref<50x128xi32, #tpu.memory_space<vmem>> -> memref<1x128xi32, #tpu.memory_space<vmem>>
        %dma_start3A_212 = tpu.memref_squeeze %dma_start3A_211 : memref<1x128xi32, #tpu.memory_space<vmem>> -> memref<128xi32, #tpu.memory_space<vmem>>
        %dma_start3A_213 = arith.constant 0 : i32
        %dma_start3A_214 = arith.constant 0 : i32
        %dma_start3A_215 = tpu.memref_slice %arg2[%dma_start3A_213, %dma_start3A_214] : memref<100000x128xf32, #tpu.memory_space<hbm>> -> memref<100000x128xf32, #tpu.memory_space<hbm>>
        tpu.enqueue_indirect_dma source(%dma_start3A_215 : memref<100000x128xf32, #tpu.memory_space<hbm>>) target(%arg7 : memref<128x128xf32, #tpu.memory_space<vmem>>) offsets(%dma_start3A_212 : memref<128xi32, #tpu.memory_space<vmem>>) semaphore(%arg12 : memref<!tpu.dma_semaphore, #tpu.memory_space<semaphore_mem>>)
      } else {
      }
      %dma_wait3A_167 = arith.constant 0 : i32
      %dma_wait3A_168 = tpu.memref_slice %arg4[%mul3A_2, %dma_wait3A_167] : memref<204800x128xf32, #tpu.memory_space<hbm>> -> memref<128x128xf32, #tpu.memory_space<hbm>>
      %dma_wait3A_169 = arith.constant 0 : i32
      %dma_wait3A_170 = tpu.memref_slice %arg4[%mul3A_2, %dma_wait3A_169] : memref<204800x128xf32, #tpu.memory_space<hbm>> -> memref<128x128xf32, #tpu.memory_space<hbm>>
      tpu.wait_dma2 semaphore(%arg18 : memref<!tpu.dma_semaphore, #tpu.memory_space<semaphore_mem>>) src(%arg8 : memref<128x128xf32, #tpu.memory_space<vmem>>) dst(%dma_wait3A_170 : memref<128x128xf32, #tpu.memory_space<hbm>>)
      %add3A_171 = arith.constant 5 : i32
      %add3A_172 = arith.addi %mul3A_63, %add3A_171 : i32
      %add3A_173 = arith.constant 2 : i32
      %add3A_174 = arith.addi %add3A_172, %add3A_173 : i32
      %lt3A_175 = arith.constant 50 : i32
      %lt3A_176 = arith.cmpi slt, %add3A_174, %lt3A_175 : i32
      %convert_element_type3A_177 = arith.extui %lt3A_176 : i1 to i32
      %cond3A_178 = arith.constant 0 : i32
      %cond3A_179 = arith.cmpi ne, %convert_element_type3A_177, %cond3A_178 : i32
      scf.if %cond3A_179 {
        %add3A_206 = arith.constant 5 : i32
        %add3A_207 = arith.addi %mul3A_63, %add3A_206 : i32
        %add3A_208 = arith.constant 2 : i32
        %add3A_209 = arith.addi %add3A_207, %add3A_208 : i32
        %dma_start3A_210 = arith.constant 0 : i32
        %dma_start3A_211 = tpu.memref_slice %arg5[%add3A_209, %dma_start3A_210] : memref<50x128xi32, #tpu.memory_space<vmem>> -> memref<1x128xi32, #tpu.memory_space<vmem>>
        %dma_start3A_212 = tpu.memref_squeeze %dma_start3A_211 : memref<1x128xi32, #tpu.memory_space<vmem>> -> memref<128xi32, #tpu.memory_space<vmem>>
        %dma_start3A_213 = arith.constant 0 : i32
        %dma_start3A_214 = arith.constant 0 : i32
        %dma_start3A_215 = tpu.memref_slice %arg2[%dma_start3A_213, %dma_start3A_214] : memref<100000x128xf32, #tpu.memory_space<hbm>> -> memref<100000x128xf32, #tpu.memory_space<hbm>>
        tpu.enqueue_indirect_dma source(%dma_start3A_215 : memref<100000x128xf32, #tpu.memory_space<hbm>>) target(%arg8 : memref<128x128xf32, #tpu.memory_space<vmem>>) offsets(%dma_start3A_212 : memref<128xi32, #tpu.memory_space<vmem>>) semaphore(%arg13 : memref<!tpu.dma_semaphore, #tpu.memory_space<semaphore_mem>>)
      } else {
      }
      %dma_wait3A_180 = arith.constant 0 : i32
      %dma_wait3A_181 = tpu.memref_slice %arg4[%mul3A_2, %dma_wait3A_180] : memref<204800x128xf32, #tpu.memory_space<hbm>> -> memref<128x128xf32, #tpu.memory_space<hbm>>
      %dma_wait3A_182 = arith.constant 0 : i32
      %dma_wait3A_183 = tpu.memref_slice %arg4[%mul3A_2, %dma_wait3A_182] : memref<204800x128xf32, #tpu.memory_space<hbm>> -> memref<128x128xf32, #tpu.memory_space<hbm>>
      tpu.wait_dma2 semaphore(%arg19 : memref<!tpu.dma_semaphore, #tpu.memory_space<semaphore_mem>>) src(%arg9 : memref<128x128xf32, #tpu.memory_space<vmem>>) dst(%dma_wait3A_183 : memref<128x128xf32, #tpu.memory_space<hbm>>)
      %add3A_184 = arith.constant 5 : i32
      %add3A_185 = arith.addi %mul3A_63, %add3A_184 : i32
      %add3A_186 = arith.constant 3 : i32
      %add3A_187 = arith.addi %add3A_185, %add3A_186 : i32
      %lt3A_188 = arith.constant 50 : i32
      %lt3A_189 = arith.cmpi slt, %add3A_187, %lt3A_188 : i32
      %convert_element_type3A_190 = arith.extui %lt3A_189 : i1 to i32
      %cond3A_191 = arith.constant 0 : i32
      %cond3A_192 = arith.cmpi ne, %convert_element_type3A_190, %cond3A_191 : i32
      scf.if %cond3A_192 {
        %add3A_206 = arith.constant 5 : i32
        %add3A_207 = arith.addi %mul3A_63, %add3A_206 : i32
        %add3A_208 = arith.constant 3 : i32
        %add3A_209 = arith.addi %add3A_207, %add3A_208 : i32
        %dma_start3A_210 = arith.constant 0 : i32
        %dma_start3A_211 = tpu.memref_slice %arg5[%add3A_209, %dma_start3A_210] : memref<50x128xi32, #tpu.memory_space<vmem>> -> memref<1x128xi32, #tpu.memory_space<vmem>>
        %dma_start3A_212 = tpu.memref_squeeze %dma_start3A_211 : memref<1x128xi32, #tpu.memory_space<vmem>> -> memref<128xi32, #tpu.memory_space<vmem>>
        %dma_start3A_213 = arith.constant 0 : i32
        %dma_start3A_214 = arith.constant 0 : i32
        %dma_start3A_215 = tpu.memref_slice %arg2[%dma_start3A_213, %dma_start3A_214] : memref<100000x128xf32, #tpu.memory_space<hbm>> -> memref<100000x128xf32, #tpu.memory_space<hbm>>
        tpu.enqueue_indirect_dma source(%dma_start3A_215 : memref<100000x128xf32, #tpu.memory_space<hbm>>) target(%arg9 : memref<128x128xf32, #tpu.memory_space<vmem>>) offsets(%dma_start3A_212 : memref<128xi32, #tpu.memory_space<vmem>>) semaphore(%arg14 : memref<!tpu.dma_semaphore, #tpu.memory_space<semaphore_mem>>)
      } else {
      }
      %dma_wait3A_193 = arith.constant 0 : i32
      %dma_wait3A_194 = tpu.memref_slice %arg4[%mul3A_2, %dma_wait3A_193] : memref<204800x128xf32, #tpu.memory_space<hbm>> -> memref<128x128xf32, #tpu.memory_space<hbm>>
      %dma_wait3A_195 = arith.constant 0 : i32
      %dma_wait3A_196 = tpu.memref_slice %arg4[%mul3A_2, %dma_wait3A_195] : memref<204800x128xf32, #tpu.memory_space<hbm>> -> memref<128x128xf32, #tpu.memory_space<hbm>>
      tpu.wait_dma2 semaphore(%arg20 : memref<!tpu.dma_semaphore, #tpu.memory_space<semaphore_mem>>) src(%arg10 : memref<128x128xf32, #tpu.memory_space<vmem>>) dst(%dma_wait3A_196 : memref<128x128xf32, #tpu.memory_space<hbm>>)
      %add3A_197 = arith.constant 5 : i32
      %add3A_198 = arith.addi %mul3A_63, %add3A_197 : i32
      %add3A_199 = arith.constant 4 : i32
      %add3A_200 = arith.addi %add3A_198, %add3A_199 : i32
      %lt3A_201 = arith.constant 50 : i32
      %lt3A_202 = arith.cmpi slt, %add3A_200, %lt3A_201 : i32
      %convert_element_type3A_203 = arith.extui %lt3A_202 : i1 to i32
      %cond3A_204 = arith.constant 0 : i32
      %cond3A_205 = arith.cmpi ne, %convert_element_type3A_203, %cond3A_204 : i32
      scf.if %cond3A_205 {
        %add3A_206 = arith.constant 5 : i32
        %add3A_207 = arith.addi %mul3A_63, %add3A_206 : i32
        %add3A_208 = arith.constant 4 : i32
        %add3A_209 = arith.addi %add3A_207, %add3A_208 : i32
        %dma_start3A_210 = arith.constant 0 : i32
        %dma_start3A_211 = tpu.memref_slice %arg5[%add3A_209, %dma_start3A_210] : memref<50x128xi32, #tpu.memory_space<vmem>> -> memref<1x128xi32, #tpu.memory_space<vmem>>
        %dma_start3A_212 = tpu.memref_squeeze %dma_start3A_211 : memref<1x128xi32, #tpu.memory_space<vmem>> -> memref<128xi32, #tpu.memory_space<vmem>>
        %dma_start3A_213 = arith.constant 0 : i32
        %dma_start3A_214 = arith.constant 0 : i32
        %dma_start3A_215 = tpu.memref_slice %arg2[%dma_start3A_213, %dma_start3A_214] : memref<100000x128xf32, #tpu.memory_space<hbm>> -> memref<100000x128xf32, #tpu.memory_space<hbm>>
        tpu.enqueue_indirect_dma source(%dma_start3A_215 : memref<100000x128xf32, #tpu.memory_space<hbm>>) target(%arg10 : memref<128x128xf32, #tpu.memory_space<vmem>>) offsets(%dma_start3A_212 : memref<128xi32, #tpu.memory_space<vmem>>) semaphore(%arg15 : memref<!tpu.dma_semaphore, #tpu.memory_space<semaphore_mem>>)
      } else {
      }
    }
    %scan3A_60 = arith.constant 10 : i32
    return
  }
}

</mosaic_0001>

<sc_bundles>
// kernel: kernel.3.cloned.1.call-start
scs
__scs_entry_jumppad:
0x0: {  	(pc) =	sbr.rel $0x88, $3  }
0x1: {  	(tag) =	ssettag $0x0;
	lr =	simm.s32 $0x1  }
0x2: {  	[smem:$0x3F9F] =	sst lr;
	_ =	strace $0xD0000000  }
0x3: {  	_ = 	snop  }
0x4: {  	_ = 	snop  }
0x5: {  	_ = 	snop  }
0x6: {  	_ = 	snop  }
0x7: {  	_ = 	snop  }
__scs_overlays_trampoline_lowered:
0x8: {  	[smem:$0x3FAE] =	sst s0  }
0x9: {  	[smem:$0x3FAF] =	sst s1  }
0xa: {  	[smem:$0x3FB0] =	sst s2  }
0xb: {  	[smem:$0x3FB1] =	sst s3  }
0xc: {  	[smem:$0x3FB2] =	sst s4  }
0xd: {  	[smem:$0x3FB3] =	sst s5  }
0xe: {  	[smem:$0x3FB4] =	sst s6  }
0xf: {  	[smem:$0x3FB5] =	sst s7  }
0x10: {  	[smem:$0x3FB6] =	sst s8  }
0x11: {  	[smem:$0x3FB7] =	sst s9;
	s0 =	simm.s32 @!p0 $0x0  }
0x12: {  	s1 =	sld [smem:$0x3F9D];
	s0 =	simm.s32 @p0 $0x1  }
0x13: {  	[smem:$0x3FB8] =	sst s0;
	s0 =	simm.s32 @!p1 $0x0  }
0x14: {  	s2 =	sld [smem:$0x3F9C];
	s0 =	simm.s32 @p1 $0x1  }
0x15: {  	[smem:$0x3FB9] =	sst s0;
	s0 =	simm.s32 @!p2 $0x0  }
0x16: {  	s3 =	sld [smem:$0x3FDB];
	s0 =	simm.s32 @p2 $0x1  }
0x17: {  	s4 =	simm.s32 $0x1BF5;
	[smem:$0x3FBB] =	sst s0  }
0x18: {  	s0 =	sld [smem:$0x3F9E];
	_ =	swait.ge [sflag:s4], $0x0  }
0x19: {  	s7 =	sld [smem:$0x3F9F]  }
0x1a: {  	s8 =	sadd.s32 $0xFFFFE003, lr  }
0x1b: {  	s9 =	sadd.s32 $0xFFFFFEF7, lr;
	s5 =	simm.s32 $0xFFFFFFFF;
	p2 =	slt.u32 s8, $0xFFFFF086  }
0x1c: {  	p1 =	slt.u32 s9, $0xF7A;
	s5 =	simm.s32 @!p2 $0x0  }
0x1d: {  	s5 =	simm.s32 @p1 $0x1;
	p0 =	seq.s32 s7, s2  }
0x1e: {  	s7 =	smul.u32 @!p0 $0xF7A, s2;
	p2 =	seq.s32 @!p0 s5, $0x0  }
0x1f: {  	s9 =	smul.u32 $0xF7A, s1;
	s8 =	simm.s32 @!p0 $0x1BF5;
	p2 =	por !p2, p0  }
0x20: {  	[sflag:s8] =	ssyncset.s32 @!p0 $0xFFFFF086;
	s6 =	sadd.s32 @!p0 s3, s7;
	s7 =	simm.s32 @!p0 $0x108  }
0x21: {  	s3 =	sadd.s32 s3, s9;
	s6 =	sadd.s32 @!p0 $0x88, s6;
	s7 =	simm.s32 @p2 $0x1082  }
0x22: {  	[simem:s7], [sflag:s8] =	dma.local @!p0 [hbm:s6], $0xF7A  }
0x23: {  	s9 =	sor.u32 $0xD0000000, s2;
	s6 =	simm.s32 $0x108;
	_ =	swait.ge @!p0 [sflag:s8], $0x0  }
0x24: {  	s3 =	sadd.s32 $0x88, s3;
	s6 =	simm.s32 @!p1 $0x1082;
	[sflag:s4] =	ssyncset.s32 $0xFFFFF086  }
0x25: {  	[simem:s6], [sflag:s4] =	dma.local [hbm:s3], $0xF7A  }
0x26: {  	[smem:$0x3F9F] =	sst s1;
	(tag) =	ssettag s2;
	_ =	strace s9  }
0x27: {  	s1 =	sld [smem:$0x3FAF]  }
0x28: {  	s2 =	sld [smem:$0x3FB0]  }
0x29: {  	s4 =	sld [smem:$0x3FB2]  }
0x2a: {  	p0 =	seq.s32 s5, $0x0;
	s5 =	sld [smem:$0x3FB3]  }
0x2b: {  	s6 =	sld [smem:$0x3FB4]  }
0x2c: {  	s7 =	sld [smem:$0x3FB5]  }
0x2d: {  	s3 =	simm.s32 $0x108;
	s8 =	sld [smem:$0x3FB6]  }
0x2e: {  	s3 =	simm.s32 @!p0 $0x1082;
	s9 =	sld [smem:$0x3FB7]  }
0x2f: {  	lr =	sadd.s32 s0, s3;
	s0 =	sld [smem:$0x3FAE]  }
0x30: {  	s3 =	sld [smem:$0x3FB1]  }
0x31: {  	[smem:$0x3FBA] =	sst s10  }
0x32: {  	s10 =	sld [smem:$0x3FB8];
	_ =	sdelay $0x3  }
0x33: {  	p0 =	seq.s32 s10, $0x1;
	s10 =	sld [smem:$0x3FBA];
	_ =	sdelay $0x3  }
0x34: {  	[smem:$0x3FBA] =	sst s10  }
0x35: {  	s10 =	sld [smem:$0x3FB9];
	_ =	sdelay $0x3  }
0x36: {  	p1 =	seq.s32 s10, $0x1;
	s10 =	sld [smem:$0x3FBA];
	_ =	sdelay $0x3  }
0x37: {  	[smem:$0x3FBA] =	sst s10  }
0x38: {  	s10 =	sld [smem:$0x3FBB]  }
0x39: {  	_ = 	snop;
	(pc) =	sbr.ind lr, $3  }
0x3a: {  	_ = 	snop  }
0x3b: {  	_ = 	snop  }
0x3c: {  	p2 =	seq.s32 s10, $0x1;
	s10 =	sld [smem:$0x3FBA]  }
0x3d: {  	_ =	shalt  }
0x3e: {  	_ =	shalt  }
0x3f: {  	_ =	shalt  }
0x40: {  	_ =	shalt  }
0x41: {  	_ =	shalt  }
0x42: {  	_ =	shalt  }
0x43: {  	_ =	shalt  }
0x44: {  	_ =	shalt  }
0x45: {  	_ =	shalt  }
0x46: {  	_ =	shalt  }
0x47: {  	_ =	shalt  }
0x48: {  	_ =	shalt  }
0x49: {  	_ =	shalt  }
0x4a: {  	_ =	shalt  }
0x4b: {  	_ =	shalt  }
0x4c: {  	_ =	shalt  }
0x4d: {  	_ =	shalt  }
0x4e: {  	_ =	shalt  }
0x4f: {  	_ =	shalt  }
0x50: {  	_ =	shalt  }
0x51: {  	_ =	shalt  }
0x52: {  	_ =	shalt  }
0x53: {  	_ =	shalt  }
0x54: {  	_ =	shalt  }
0x55: {  	_ =	shalt  }
0x56: {  	_ =	shalt  }
0x57: {  	_ =	shalt  }
0x58: {  	_ =	shalt  }
0x59: {  	_ =	shalt  }
0x5a: {  	_ =	shalt  }
0x5b: {  	_ =	shalt  }
0x5c: {  	_ =	shalt  }
0x5d: {  	_ =	shalt  }
0x5e: {  	_ =	shalt  }
0x5f: {  	_ =	shalt  }
0x60: {  	_ =	shalt  }
0x61: {  	_ =	shalt  }
0x62: {  	_ =	shalt  }
0x63: {  	_ =	shalt  }
0x64: {  	_ =	shalt  }
0x65: {  	_ =	shalt  }
0x66: {  	_ =	shalt  }
0x67: {  	_ =	shalt  }
0x68: {  	_ =	shalt  }
0x69: {  	_ =	shalt  }
0x6a: {  	_ =	shalt  }
0x6b: {  	_ =	shalt  }
0x6c: {  	_ =	shalt  }
0x6d: {  	_ =	shalt  }
0x6e: {  	_ =	shalt  }
0x6f: {  	_ =	shalt  }
0x70: {  	_ =	shalt  }
0x71: {  	_ =	shalt  }
0x72: {  	_ =	shalt  }
0x73: {  	_ =	shalt  }
0x74: {  	_ =	shalt  }
0x75: {  	_ =	shalt  }
0x76: {  	_ =	shalt  }
0x77: {  	_ =	shalt  }
0x78: {  	_ =	shalt  }
0x79: {  	_ =	shalt  }
0x7a: {  	_ =	shalt  }
0x7b: {  	_ =	shalt  }
0x7c: {  	_ =	shalt  }
0x7d: {  	_ =	shalt  }
0x7e: {  	_ =	shalt  }
0x7f: {  	_ =	shalt  }
0x80: {  	_ =	shalt  }
0x81: {  	_ =	shalt  }
0x82: {  	_ =	shalt  }
0x83: {  	_ =	shalt  }
0x84: {  	_ =	shalt  }
0x85: {  	_ =	shalt  }
0x86: {  	_ =	shalt  }
0x87: {  	_ =	shalt  }
.Lfunc_end0:
.L_simem_size_0:
called_computation_lowered:
.L_overlay_start_0:
0x88: {  	s2 =	sld [smem:$0x3FD9]  }
0x89: {  	s3 =	sld [smem:$0x3FFE];
	_ =	sdelay $0x1  }
0x8a: {  	s1 =	srdreg.scid  }
0x8b: {  	s0 =	sand.u32 $0x1, s1  }
0x8c: {  	s18 =	sshll.u32 s0, $0xA;
	s2 =	sadd.s32 s3, s2  }
0x8d: {  	s2 =	sadd.s32 s2, s18  }
0x8e: {  	[smem:$0x3FC6] =	sst s2  }
0x8f: {  	_ = 	snop  }
0x90: {  	s2 =	sld [smem:$0x3FC9]  }
0x91: {  	s19 =	sld [smem:$0x3FC8]  }
0x92: {  	s4 =	sld [smem:$0x3FD0];
	(tm) =	ssettm $0x1  }
0x93: {  	s5 =	sld [smem:$0x3FFB];
	_ =	sdelay $0x3  }
0x94: {  	_ =	strace s5  }
0x95: {  	s5 =	sld [smem:$0x3FFC];
	_ =	sdelay $0x3  }
0x96: {  	_ =	strace s5  }
0x97: {  	s5 =	sld [smem:$0x3FFD];
	_ =	sdelay $0x3  }
0x98: {  	_ =	strace s5  }
0x99: {  	_ =	strace $0x8FFFFFFF  }
0x9a: {  	s20 =	sld [smem:$0x3FDB];
	_ =	sdelay $0x1  }
0x9b: {  	s6 =	simm.s32 $_scs_section_size  }
0x9c: {  	s7 =	simm.s32 $_size__tile_overlayer_lowered;
	s8 =	simm.s32 $_tile_overlayer_lowered  }
0x9d: {  	s23 =	simm.s32 $0x1BFF;
	s22 =	sshll.u32 s8, $0x1;
	s5 =	sadd.s32 s6, s20  }
0x9e: {  	s9 =	simm.s32 $0x0;
	s21 =	sshll.u32 s7, $0x1;
	s7 =	sadd.s32 s22, s5  }
0x9f: {  	[timem:s9], [sflag:s23] =	dma.local [hbm:s7], s21  }
0xa0: {  	_ =	swait.ge [sflag:s23], s21  }
0xa1: {  	s6 =	ssub.s32 $0x0, s21;
	[sflag:s23] =	ssyncset.done $0x0  }
0xa2: {  	[sflag:s23] =	ssyncadd.s32 s6;
	_ =	sdelay $0x1  }
0xa3: {  	s24 =	simm.s32 $0x1B8B  }
0xa4: {  	_ =	swait.ge [sflag:s24], $0x1  }
0xa5: {  	[sflag:s24] =	ssyncset.done $0x0  }
0xa6: {  	s25 =	simm.s32 $0x1B8E;
	[sflag:s24] =	ssyncadd.s32 $0xFFFFFFFF  }
0xa7: {  	s26 =	simm.s32 $execute0_lowered;
	[smem:$0x3FD2] =	sst s25  }
0xa8: {  	s6 =	sshll.u32 s26, $0x1;
	_ =	strace $0x80000046;
	[dreg:$0x1] =	wrdreg $0xFFFFFFFF  }
0xa9: {  	s28 =	simm.s32 $_size_execute0_lowered;
	s5 =	sadd.s32 s5, s6;
	[dreg:$0x0] =	wrdreg $0x0  }
0xaa: {  	s6 =	sshll.u32 s28, $0x1;
	[dreg:$0x2] =	wrdreg s5  }
0xab: {  	[dreg:$0x3] =	wrdreg s6  }
0xac: {  	[dreg:$0x4] =	wrdreg $0xC0  }
0xad: {  	_ =	task [dreg:s9], $0x5FFFF  }
0xae: {  	[dreg:$0x1] =	wrdreg $0xFFFFFFFF  }
0xaf: {  	[dreg:$0x0] =	wrdreg $0x60  }
0xb0: {  	[dreg:$0x2] =	wrdreg s19  }
0xb1: {  	[dreg:$0x3] =	wrdreg s2  }
0xb2: {  	[dreg:$0x4] =	wrdreg s4  }
0xb3: {  	[dreg:$0x5] =	wrdreg $0x9  }
0xb4: {  	_ =	task.clear_ibuf [dreg:s9], $0x6FFFF;
	_ =	strace $0x90000046  }
0xb5: {  	s29 =	simm.s32 $0x9;
	_ =	strace $0x80000048  }
0xb6: {  	_ =	swait.ge [sflag:s29], $0x1  }
0xb7: {  	[sflag:s29] =	ssyncadd.s32 $0xFFFFFFFF  }
0xb8: {  	_ =	strace $0x90000048  }
0xb9: {  	_ =	sfence  }
0xba: {  	s30 =	sld [smem:$0x0];
	_ =	sdelay $0x2  }
0xbb: {  	s31 =	sshll.u32 s1, $0xD;
	s1 =	sshrl.u32 s1, $0x2  }
0xbc: {  	s3 =	sand.u32 $0x4000, s31;
	s1 =	sadd.s32 s1, s30  }
0xbd: {  	s0 =	sor.u32 s3, s0;
	s1 =	sshll.u32 s1, $0x11  }
0xbe: {  	s0 =	sor.u32 s1, s0  }
0xbf: {  	s0 =	sadd.s32 $0x8F2B, s0  }
0xc0: {  	[sflag:s0] =	ssyncadd.remote.s32 $0x1  }
0xc1: {  	_ =	sfence.sel $0xFFFF  }
0xc2: {  	[dreg:$0x0] =	wrdreg $0xFFFFFFFF;
	(pc) =	sbr.abs _section_cstart, $3  }
0xc3: {  	[dreg:$0x1] =	wrdreg $0xFFFFFFFF  }
0xc4: {  	_ =	task.clear_ibuf [dreg:s9], $0x2FFFF;
	_ =	strace $0x9FFFFFFF  }
0xc5: {  	(tm) =	ssettm $0x7FFFFFFF  }
tec
execute0_lowered:
.L_overlay_start_1:
0x0: {  	(tag) =	ssettag $0x1  }
0x1: {  	s1 =	rddreg [dreg:$0x0]  }
0x2: {  	s0 =	rddreg [dreg:$0x1]  }
0x3: {  	s2 =	rddreg [dreg:$0x2];
	s3 =	simm.s32 $0x0;
	s4 =	srdreg.scid  }
0x4: {  	s9 =	stileid.u32;
	s13 =	simm.s32 $0x80;
	s14 =	simm.s32 $0x1C00  }
0x5: {  	s15 =	simm.s32 $0x5C00;
	s17 =	simm.s32 $0x9C00;
	s18 =	simm.s32 $0x180  }
0x6: {  	s19 =	simm.s32 $0xDC00;
	s20 =	simm.s32 $0x200;
	s21 =	simm.s32 $0x11C00  }
0x7: {  	s22 =	simm.s32 $0x6;
	s23 =	simm.s32 $0x1;
	s28 =	simm.s32 $0x5  }
0x8: {  	s29 =	simm.s32 $0x7;
	s30 =	simm.s32 $0x8;
	s31 =	simm.s32 $0x9  }
0x9: {  	[smem:$0x7FF] =	sst s3;
	s6 =	sand.u32 $0x1, s4;
	s5 =	sshll.u32 s9, $0x8  }
0xa: {  	s25 =	sshll.u32 s9, $0xC;
	s4 =	ssub.s32 $0x2, s6;
	s7 =	sshll.u32 s6, $0x7  }
0xb: {  	_ =	strace $0x80000047;
	s26 =	sshll.u32 s6, $0xB;
	s8 =	sshrl.u32 s4, $0x1  }
.Ltmp0:
0xc: {  	s5 =	sor.u32 s7, s5;
	s24 =	ssub.s32 s4, s8;
	(pc) =	sbr.rel .LBB2_1-.Ltmp0, $4  }
0xd: {  	s4 =	sadd.s32 s0, s5;
	s0 =	sadd.s32 s25, s2;
	s8 =	simm.s32 $0xB  }
0xe: {  	s25 =	simm.s32 $0x3;
	s2 =	simm.s32 $0x0;
	s5 =	sadd.s32 $0x1000, s4  }
0xf: {  	s6 =	smax.u32 s24, $0x1;
	s9 =	sadd.s32 s26, s0;
	s24 =	simm.s32 $0x2  }
0x10: {  	s26 =	simm.s32 $0x4;
	s0 =	simm.s32 $0xA;
	s11 =	sadd.s32 $0x5000, s5  }
.LBB2_4:
0x11: {  	_ =	swait.ge [sflag:s29], $0x4000  }
0x12: {  	[sflag:s29] =	ssyncset.done $0x0  }
0x13: {  	[sflag:s29] =	ssyncadd.s32 $0xFFFFC000  }
0x14: {  	_ =	swait.ge [sflag:s30], $0x4000  }
0x15: {  	[sflag:s30] =	ssyncset.done $0x0  }
0x16: {  	s2 =	sadd.s32 $0x1, s2;
	[sflag:s30] =	ssyncadd.s32 $0xFFFFC000  }
0x17: {  	p0 =	sne.s32 s2, s6;
	_ =	swait.ge [sflag:s31], $0x4000  }
.Ltmp1:
0x18: {  	[sflag:s31] =	ssyncset.done $0x0;
	(pc) =	sbr.rel @!p0 .LBB2_5-.Ltmp1, $4  }
0x19: {  	[sflag:s31] =	ssyncadd.s32 $0xFFFFC000  }
0x1a: {  	_ =	swait.ge [sflag:s0], $0x4000  }
0x1b: {  	[sflag:s0] =	ssyncset.done $0x0  }
0x1c: {  	[sflag:s0] =	ssyncadd.s32 $0xFFFFC000  }
.LBB2_1:
0x1d: {  	[tilespmem:s3], [sflag:$0xB] =	stream.linear.gather [hbm4b:s4+s3], $0x400, $0x38;
	[tilespmem:$0x15C00] =	vst v63  }
0x1e: {  	_ =	swait.ge [sflag:s8], $0x400  }
0x1f: {  	[sflag:s8] =	ssyncset.done $0x0  }
0x20: {  	s7 =	simm.s32 $0x8000;
	s10 =	simm.s32 $0x400;
	[sflag:s8] =	ssyncadd.s32 $0xFFFFFC00  }
0x21: {  	[tilespmem:s10], [sflag:$0x6] =	stream.strided.gather [hbm4b:s5+s10], $0x1400, s7, s10, $0x38;
	[tilespmem:$0x15C00] =	vst v63  }
0x22: {  	s12 =	simm.s32 $0x1800  }
0x23: {  	[tilespmem:s12], [sflag:$0x6] =	stream.linear.gather [hbm4b:s11+s3], $0x100, $0x38;
	[tilespmem:$0x15C00] =	vst v63  }
0x24: {  	_ = 	snop  }
0x25: {  	[tilespmem:s14], [sflag:$0x1] =	stream.indirect.gather [hbm4b:s1+s13], $0x80, s3, s13, $0xb8;
	[tilespmem:$0x15C00] =	vst v63  }
0x26: {  	_ = 	snop  }
0x27: {  	[tilespmem:s15], [sflag:$0x2] =	stream.indirect.gather [hbm4b:s1+s13], $0x80, s13, s13, $0xb8;
	[tilespmem:$0x15C00] =	vst v63  }
0x28: {  	s16 =	simm.s32 $0x100  }
0x29: {  	[tilespmem:s17], [sflag:$0x3] =	stream.indirect.gather [hbm4b:s1+s13], $0x80, s16, s13, $0xb8;
	[tilespmem:$0x15C00] =	vst v63  }
0x2a: {  	_ = 	snop  }
0x2b: {  	[tilespmem:s19], [sflag:$0x4] =	stream.indirect.gather [hbm4b:s1+s13], $0x80, s18, s13, $0xb8;
	[tilespmem:$0x15C00] =	vst v63  }
0x2c: {  	_ = 	snop  }
0x2d: {  	[tilespmem:s21], [sflag:$0x5] =	stream.indirect.gather [hbm4b:s1+s13], $0x80, s20, s13, $0xb8;
	[tilespmem:$0x15C00] =	vst v63  }
0x2e: {  	_ =	swait.ge [sflag:s22], $0x1500  }
0x2f: {  	[sflag:s22] =	ssyncset.done $0x0  }
0x30: {  	s7 =	smov.u32 s9;
	s10 =	simm.s32 $0x0;
	[sflag:s22] =	ssyncadd.s32 $0xFFFFEB00  }
.LBB2_2:
0x31: {  	_ =	swait.ge [sflag:s23], $0x4000  }
0x32: {  	[sflag:s23] =	ssyncset.done $0x0  }
0x33: {  	[sflag:s23] =	ssyncadd.s32 $0xFFFFC000  }
0x34: {  	[hbm4b:s7+s3] =	stream.linear.scatter [tilespmem:s14], [sflag:$0x6], $0x4000, $0x38;
	[tilespmem:$0x15C00] =	vst v63  }
0x35: {  	_ =	swait.ge [sflag:s24], $0x4000  }
0x36: {  	[sflag:s24] =	ssyncset.done $0x0  }
0x37: {  	s12 =	sadd.s32 $0x10000, s7;
	[sflag:s24] =	ssyncadd.s32 $0xFFFFC000  }
0x38: {  	[hbm4b:s12+s3] =	stream.linear.scatter [tilespmem:s15], [sflag:$0x7], $0x4000, $0x38;
	[tilespmem:$0x15C00] =	vst v63  }
0x39: {  	_ =	swait.ge [sflag:s25], $0x4000  }
0x3a: {  	[sflag:s25] =	ssyncset.done $0x0  }
0x3b: {  	s16 =	sadd.s32 $0x20000, s7;
	[sflag:s25] =	ssyncadd.s32 $0xFFFFC000  }
0x3c: {  	[hbm4b:s16+s3] =	stream.linear.scatter [tilespmem:s17], [sflag:$0x8], $0x4000, $0x38;
	[tilespmem:$0x15C00] =	vst v63  }
0x3d: {  	_ =	swait.ge [sflag:s26], $0x4000  }
0x3e: {  	[sflag:s26] =	ssyncset.done $0x0  }
0x3f: {  	s16 =	sadd.s32 $0x30000, s7;
	[sflag:s26] =	ssyncadd.s32 $0xFFFFC000  }
0x40: {  	[hbm4b:s16+s3] =	stream.linear.scatter [tilespmem:s19], [sflag:$0x9], $0x4000, $0x38;
	[tilespmem:$0x15C00] =	vst v63  }
0x41: {  	_ =	swait.ge [sflag:s28], $0x4000  }
0x42: {  	p0 =	seq.s32 s10, $0x5A00;
	[sflag:s28] =	ssyncset.done $0x0  }
.Ltmp2:
0x43: {  	s16 =	sadd.s32 $0x40000, s7;
	[sflag:s28] =	ssyncadd.s32 $0xFFFFC000;
	(pc) =	sbr.rel @p0 .LBB2_4-.Ltmp2, $4  }
0x44: {  	[hbm4b:s16+s3] =	stream.linear.scatter [tilespmem:s21], [sflag:$0xA], $0x4000, $0x38;
	[tilespmem:$0x15C00] =	vst v63  }
0x45: {  	_ =	swait.ge [sflag:s22], $0x4000  }
0x46: {  	[sflag:s22] =	ssyncset.done $0x0  }
0x47: {  	[sflag:s22] =	ssyncadd.s32 $0xFFFFC000  }
0x48: {  	s12 =	sshra.s32 s10, $0x2  }
0x49: {  	s16 =	sadd.s32 $0x280, s12  }
0x4a: {  	[tilespmem:s14], [sflag:$0x1] =	stream.indirect.gather [hbm4b:s1+s13], $0x80, s16, s13, $0xb8;
	[tilespmem:$0x15C00] =	vst v63  }
0x4b: {  	_ =	swait.ge [sflag:s29], $0x4000  }
0x4c: {  	[sflag:s29] =	ssyncset.done $0x0  }
0x4d: {  	s16 =	sadd.s32 $0x300, s12;
	[sflag:s29] =	ssyncadd.s32 $0xFFFFC000  }
0x4e: {  	[tilespmem:s15], [sflag:$0x2] =	stream.indirect.gather [hbm4b:s1+s13], $0x80, s16, s13, $0xb8;
	[tilespmem:$0x15C00] =	vst v63  }
0x4f: {  	_ =	swait.ge [sflag:s30], $0x4000  }
0x50: {  	[sflag:s30] =	ssyncset.done $0x0  }
0x51: {  	s16 =	sadd.s32 $0x380, s12;
	[sflag:s30] =	ssyncadd.s32 $0xFFFFC000  }
0x52: {  	[tilespmem:s17], [sflag:$0x3] =	stream.indirect.gather [hbm4b:s1+s13], $0x80, s16, s13, $0xb8;
	[tilespmem:$0x15C00] =	vst v63  }
0x53: {  	_ =	swait.ge [sflag:s31], $0x4000  }
0x54: {  	[sflag:s31] =	ssyncset.done $0x0  }
0x55: {  	s16 =	sadd.s32 $0x400, s12;
	[sflag:s31] =	ssyncadd.s32 $0xFFFFC000  }
0x56: {  	[tilespmem:s19], [sflag:$0x4] =	stream.indirect.gather [hbm4b:s1+s13], $0x80, s16, s13, $0xb8;
	[tilespmem:$0x15C00] =	vst v63  }
.Ltmp3:
0x57: {  	_ = 	snop;
	(pc) =	sbr.rel .LBB2_2-.Ltmp3, $4  }
0x58: {  	_ =	swait.ge [sflag:s0], $0x4000  }
0x59: {  	s10 =	sadd.s32 $0xA00, s10;
	[sflag:s0] =	ssyncset.done $0x0  }
0x5a: {  	s7 =	sadd.s32 $0x50000, s7;
	s12 =	sadd.s32 $0x480, s12;
	[sflag:s0] =	ssyncadd.s32 $0xFFFFC000  }
0x5b: {  	[tilespmem:s21], [sflag:$0x5] =	stream.indirect.gather [hbm4b:s1+s13], $0x80, s12, s13, $0xb8;
	[tilespmem:$0x15C00] =	vst v63  }
.LBB2_5:
0x5c: {  	_ =	sfence.sel $0x180000  }
0x5d: {  	[bflag:$0x0] =	sbarrier.arrive $0xFFFF  }
0x5e: {  	_ =	strace $0x90000047  }
0x5f: {  	s0 =	stileid.u32;
	[bflag:$0x2] =	sbarrier.arrive $0xFFFF  }
0x60: {  	p0 =	sne.s32 s0, $0x0;
	s0 =	rddreg [dreg:$0x3]  }
0x61: {  	s0 =	sadd.s32 @!p0 $0x100000, s0  }
0x62: {  	[sflag:s0] =	ssyncadd.tile.s32 @!p0 $0x1;
	_ =	shalt  }
.Lfunc_end2:
_tile_overlayer_lowered:
.L_overlay_start_2:
0x63: {  	(tag) =	ssettag $0x2  }
0x64: {  	s0 =	rddreg [dreg:$0x0];
	s2 =	stileid.u32  }
0x65: {  	s1 =	rddreg [dreg:$0x1];
	p0 =	sne.s32 s2, $0x0  }
0x66: {  	s3 =	rddreg [dreg:$0x2];
	[bflag:$0x3] =	sbarrier.arrive $0xFFFF;
	s2 =	simm.s32 @!p0 $0x1C0B  }
0x67: {  	[timem:s3], [sflag:s2] =	dma.local @!p0 [hbm:s0], s1  }
0x68: {  	s0 =	simm.s32 @!p0 $0xB  }
0x69: {  	_ =	swait.ge @!p0 [sflag:s0], s1  }
0x6a: {  	s1 =	ssub.s32 @!p0 $0x0, s1;
	[sflag:s0] =	ssyncset.done @!p0 $0x0  }
0x6b: {  	[sflag:s0] =	ssyncadd.s32 @!p0 s1  }
0x6c: {  	[bflag:$0x3] =	sbarrier.arrive $0xFFFF  }
0x6d: {  	_ =	shalt  }

</sc_bundles>
